<compile_context>
chip_gen: v7x
topology: tpu7x:2x2x1
jax: 0.10.2.dev20260603
libtpu: 0.0.44.dev20260713+nightly
codegen_flags: <defaults>
</compile_context>

<pallas_src>
import functools

import jax
import jax.numpy as jnp
from jax import lax
from jax.experimental import pallas as pl
from jax.experimental.pallas import tpu as pltpu
from jax.experimental.pallas import tpu_sc as plsc

_B, _N, _FD = 8, 65536, 128
_NSAMPLE = 16384
_NW = 32
_ROWS = _B * _NSAMPLE
_RPW = _ROWS // _NW
_CHUNK = 128
_NCHUNK = _RPW // _CHUNK
_XPW = _RPW * 3
_XNCHUNK = _XPW // _CHUNK
_NBUF = 4
_LEAD = 2

_mesh = plsc.VectorSubcoreMesh(core_axis_name="c", subcore_axis_name="s")


@functools.partial(
    pl.kernel,
    mesh=_mesh,
    out_type=(
        jax.ShapeDtypeStruct((_ROWS * 3 // _CHUNK, _CHUNK), jnp.float32),
        jax.ShapeDtypeStruct((_ROWS, _FD), jnp.float32),
    ),
    scratch_types=[
        pltpu.VMEM((_NCHUNK, _CHUNK), jnp.int32),
        pltpu.VMEM((_XNCHUNK, _CHUNK), jnp.int32),
        pltpu.VMEM((_XNCHUNK, _CHUNK), jnp.float32),
        pltpu.VMEM((_NBUF, _CHUNK, _FD), jnp.float32),
        pltpu.SemaphoreType.DMA((_NBUF,)),
        pltpu.SemaphoreType.DMA((_NBUF,)),
        pltpu.SemaphoreType.DMA,
    ],
)
def _gather_all(xyz_hbm, feat_hbm, idx_hbm, xidx_hbm, xyz_out, feat_out,
                idx_v, xidx_v, xbuf, fbuf, fgsem, fwsem, xsem):
    wid = lax.axis_index("s") * 2 + lax.axis_index("c")
    pltpu.sync_copy(idx_hbm.at[wid], idx_v)
    pltpu.sync_copy(xidx_hbm.at[wid], xidx_v)

    def xfire(c, carry):
        pltpu.async_copy(xyz_hbm.at[xidx_v.at[c]], xbuf.at[c], xsem)
        return carry

    lax.fori_loop(0, _XNCHUNK, xfire, 0)

    fbase = wid * _RPW

    def fgather_start(c, slot):
        pltpu.async_copy(feat_hbm.at[idx_v.at[c]], fbuf.at[slot], fgsem.at[slot])

    for j in range(_LEAD):
        fgather_start(j, j)

    def fbody(c, carry):
        nxt = c + _LEAD
        slot_n = lax.rem(nxt, _NBUF)

        @pl.when(nxt < _NCHUNK)
        def _():
            @pl.when(nxt >= _NBUF)
            def _():
                pltpu.make_async_copy(
                    fbuf.at[slot_n],
                    feat_out.at[pl.ds(fbase, _CHUNK)],
                    fwsem.at[slot_n],
                ).wait()
            fgather_start(nxt, slot_n)

        slot = lax.rem(c, _NBUF)
        pltpu.make_async_copy(
            feat_hbm.at[idx_v.at[c]], fbuf.at[slot], fgsem.at[slot]
        ).wait()
        pltpu.async_copy(
            fbuf.at[slot],
            feat_out.at[pl.ds(fbase + c * _CHUNK, _CHUNK)],
            fwsem.at[slot],
        )
        return carry

    lax.fori_loop(0, _NCHUNK, fbody, 0)

    for j in range(_NBUF):
        slot = (_NCHUNK - _NBUF + j) % _NBUF
        pltpu.make_async_copy(
            fbuf.at[slot], feat_out.at[pl.ds(fbase, _CHUNK)], fwsem.at[slot]
        ).wait()

    def xdrain(c, carry):
        pltpu.make_async_copy(
            xyz_hbm.at[xidx_v.at[c]], xbuf.at[c], xsem
        ).wait()
        return carry

    lax.fori_loop(0, _XNCHUNK, xdrain, 0)
    pltpu.sync_copy(xbuf, xyz_out.at[pl.ds(wid * _XNCHUNK, _XNCHUNK)])


_IDX = None


def _flat_indexes5():
    global _IDX
    if _IDX is None:
        keys = jax.random.split(jax.random.key(42), _B)
        idx = jax.vmap(lambda k: jax.random.permutation(k, _N)[:_NSAMPLE])(keys)
        idx = idx.astype(jnp.int32)
        flat = (idx + (jnp.arange(_B, dtype=jnp.int32) * _N)[:, None]).reshape(-1)
        nidx = idx.reshape(_B, _NSAMPLE // _CHUNK, _CHUNK)
        inplane = (nidx // _CHUNK) * (_B * _CHUNK) + (nidx % _CHUNK) \
            + (jnp.arange(_B, dtype=jnp.int32) * _CHUNK)[:, None, None]
        inplane = jnp.transpose(inplane, (1, 0, 2))
        eidx = (jnp.arange(3, dtype=jnp.int32)[:, None, None, None] * (_B * _N)
                + inplane[None]).reshape(-1)
        _IDX = (
            jax.block_until_ready(flat.reshape(_NW, _NCHUNK, _CHUNK)),
            jax.block_until_ready(eidx.reshape(_NW, _XNCHUNK, _CHUNK)),
        )
    return _IDX


def kernel(xyz, feat):
    idx, xidx = _flat_indexes5()
    xt = (jnp.transpose(xyz, (2, 0, 1))
          .reshape(3, _B, _N // _CHUNK, _CHUNK)
          .transpose(0, 2, 1, 3)
          .reshape(_B * _N * 3))
    sx, sf = _gather_all(xt, feat.reshape(_B * _N, _FD), idx, xidx)
    sx = (sx.reshape(3, _NSAMPLE // _CHUNK, _B, _CHUNK)
          .transpose(0, 2, 1, 3)
          .reshape(3, _B, _NSAMPLE)
          .transpose(1, 2, 0))
    return sx, sf.reshape(_B, _NSAMPLE, _FD)

# --- scband reference (transcript-rebuilt; emitter-appended) ---
"""Pipeline reference for scband-transition-down-66958540144766 (READ-ONLY COPY).

The authoritative reference and input builder live on the scoring server;
editing this copy changes nothing except your own understanding.
"""

import jax, jax.numpy as jnp
import numpy as np

NSAMPLE = 16384


def setup_inputs(seed: int = 0) -> dict:
    key = jax.random.key(seed)
    k1, k2 = jax.random.split(key)
    xyz = jax.random.normal(k1, (8, 65536, 3), dtype=jnp.float32)
    feat = jax.random.normal(k2, (8, 65536, 128), dtype=jnp.float32)
    return {"xyz": xyz, "feat": feat}


def _sample_indexes(batch, n, nsample):
    # 'uniform' sample_method: per-batch uniform sampling WITHOUT replacement
    # (torch.multinomial over uniform weights == random permutation prefix)
    keys = jax.random.split(jax.random.key(42), batch)
    return jax.vmap(lambda k: jax.random.permutation(k, n)[:nsample])(keys)


def reference(xyz, feat):
    B, N, _ = xyz.shape
    sample_indexes = _sample_indexes(B, N, NSAMPLE)  # int32 [B, NSAMPLE]
    # index_points: gather rows per batch
    sampled_xyz = jnp.take_along_axis(xyz, sample_indexes[:, :, None], axis=1)
    sampled_feat = jnp.take_along_axis(feat, sample_indexes[:, :, None], axis=1)
    # module returns (sampled_xyz, cached_feature, None, None, cached_sample_indexes);
    # cache_sample_indexes is None so only the gathered tensors matter
    return sampled_xyz, sampled_feat

if __name__ == "__main__":
    import jax
    _d = setup_inputs()
    print(jax.jit(kernel)(*tuple(_d.values())))

</pallas_src>

<mosaic_0001>
#map = affine_map<(d0, d1) -> (0)>
#map1 = affine_map<(d0, d1) -> (0, 0)>
#map2 = affine_map<(d0, d1) -> (0, 0, 0)>
module attributes {stable_mosaic.version = 14 : i64} {
  func.func @_gather_all(%arg0: i32, %arg1: i32, %arg2: memref<1572864xf32, #tpu.memory_space<hbm>>, %arg3: memref<524288x128xf32, #tpu.memory_space<hbm>>, %arg4: memref<32x32x128xi32, #tpu.memory_space<hbm>>, %arg5: memref<32x96x128xi32, #tpu.memory_space<hbm>>, %arg6: memref<3072x128xf32, #tpu.memory_space<hbm>>, %arg7: memref<131072x128xf32, #tpu.memory_space<hbm>>, %arg8: memref<32x128xi32, #tpu.memory_space<vmem>>, %arg9: memref<96x128xi32, #tpu.memory_space<vmem>>, %arg10: memref<96x128xf32, #tpu.memory_space<vmem>>, %arg11: memref<4x128x128xf32, #tpu.memory_space<vmem>>, %arg12: memref<4x!tpu.dma_semaphore, #tpu.memory_space<semaphore_mem>>, %arg13: memref<4x!tpu.dma_semaphore, #tpu.memory_space<semaphore_mem>>, %arg14: memref<!tpu.dma_semaphore, #tpu.memory_space<semaphore_mem>>) attributes {dimension_semantics = [#tpu.dimension_semantics<core_parallel>, #tpu.dimension_semantics<subcore_parallel>], iteration_bounds = array<i64: 2, 16>, scalar_prefetch = 0 : i64, scratch_operands = 7 : i64, tpu.core_type = #tpu.core_type<sc_vector_subcore>, window_params = [{transform_indices = #map}, {transform_indices = #map1}, {transform_indices = #map2}, {transform_indices = #map2}, {transform_indices = #map1}, {transform_indices = #map1}]} {
    %mul3A = arith.constant 2 : i32
    %mul3A_0 = arith.muli %arg1, %mul3A : i32
    %add3A = arith.addi %mul3A_0, %arg0 : i32
    "tpu.region"() ({
      %run_scoped3A = tpu.sem_alloc : memref<!tpu.dma_semaphore, #tpu.memory_space<semaphore_mem>>
      %dma_start3A_114 = arith.constant 0 : i32
      %dma_start3A_115 = arith.constant 0 : i32
      %dma_start3A_116 = tpu.memref_slice %arg4[%add3A, %dma_start3A_114, %dma_start3A_115] : memref<32x32x128xi32, #tpu.memory_space<hbm>> -> memref<1x32x128xi32, #tpu.memory_space<hbm>>
      %dma_start3A_117 = tpu.memref_squeeze %dma_start3A_116 : memref<1x32x128xi32, #tpu.memory_space<hbm>> -> memref<32x128xi32, #tpu.memory_space<hbm>>
      %dma_start3A_118 = arith.constant 0 : i32
      %dma_start3A_119 = arith.constant 0 : i32
      %dma_start3A_120 = tpu.memref_slice %arg4[%add3A, %dma_start3A_118, %dma_start3A_119] : memref<32x32x128xi32, #tpu.memory_space<hbm>> -> memref<1x32x128xi32, #tpu.memory_space<hbm>>
      %dma_start3A_121 = tpu.memref_squeeze %dma_start3A_120 : memref<1x32x128xi32, #tpu.memory_space<hbm>> -> memref<32x128xi32, #tpu.memory_space<hbm>>
      tpu.enqueue_dma source(%dma_start3A_121 : memref<32x128xi32, #tpu.memory_space<hbm>>) target(%arg8 : memref<32x128xi32, #tpu.memory_space<vmem>>) target_semaphore(%run_scoped3A : memref<!tpu.dma_semaphore, #tpu.memory_space<semaphore_mem>>)
      %dma_wait3A_122 = arith.constant 0 : i32
      %dma_wait3A_123 = arith.constant 0 : i32
      %dma_wait3A_124 = tpu.memref_slice %arg4[%add3A, %dma_wait3A_122, %dma_wait3A_123] : memref<32x32x128xi32, #tpu.memory_space<hbm>> -> memref<1x32x128xi32, #tpu.memory_space<hbm>>
      %dma_wait3A_125 = tpu.memref_squeeze %dma_wait3A_124 : memref<1x32x128xi32, #tpu.memory_space<hbm>> -> memref<32x128xi32, #tpu.memory_space<hbm>>
      %dma_wait3A_126 = arith.constant 0 : i32
      %dma_wait3A_127 = arith.constant 0 : i32
      %dma_wait3A_128 = tpu.memref_slice %arg4[%add3A, %dma_wait3A_126, %dma_wait3A_127] : memref<32x32x128xi32, #tpu.memory_space<hbm>> -> memref<1x32x128xi32, #tpu.memory_space<hbm>>
      %dma_wait3A_129 = tpu.memref_squeeze %dma_wait3A_128 : memref<1x32x128xi32, #tpu.memory_space<hbm>> -> memref<32x128xi32, #tpu.memory_space<hbm>>
      tpu.wait_dma2 semaphore(%run_scoped3A : memref<!tpu.dma_semaphore, #tpu.memory_space<semaphore_mem>>) src(%dma_wait3A_129 : memref<32x128xi32, #tpu.memory_space<hbm>>) dst(%arg8 : memref<32x128xi32, #tpu.memory_space<vmem>>)
      tpu.yield
    }) : () -> ()
    "tpu.region"() ({
      %run_scoped3A = tpu.sem_alloc : memref<!tpu.dma_semaphore, #tpu.memory_space<semaphore_mem>>
      %dma_start3A_114 = arith.constant 0 : i32
      %dma_start3A_115 = arith.constant 0 : i32
      %dma_start3A_116 = tpu.memref_slice %arg5[%add3A, %dma_start3A_114, %dma_start3A_115] : memref<32x96x128xi32, #tpu.memory_space<hbm>> -> memref<1x96x128xi32, #tpu.memory_space<hbm>>
      %dma_start3A_117 = tpu.memref_squeeze %dma_start3A_116 : memref<1x96x128xi32, #tpu.memory_space<hbm>> -> memref<96x128xi32, #tpu.memory_space<hbm>>
      %dma_start3A_118 = arith.constant 0 : i32
      %dma_start3A_119 = arith.constant 0 : i32
      %dma_start3A_120 = tpu.memref_slice %arg5[%add3A, %dma_start3A_118, %dma_start3A_119] : memref<32x96x128xi32, #tpu.memory_space<hbm>> -> memref<1x96x128xi32, #tpu.memory_space<hbm>>
      %dma_start3A_121 = tpu.memref_squeeze %dma_start3A_120 : memref<1x96x128xi32, #tpu.memory_space<hbm>> -> memref<96x128xi32, #tpu.memory_space<hbm>>
      tpu.enqueue_dma source(%dma_start3A_121 : memref<96x128xi32, #tpu.memory_space<hbm>>) target(%arg9 : memref<96x128xi32, #tpu.memory_space<vmem>>) target_semaphore(%run_scoped3A : memref<!tpu.dma_semaphore, #tpu.memory_space<semaphore_mem>>)
      %dma_wait3A_122 = arith.constant 0 : i32
      %dma_wait3A_123 = arith.constant 0 : i32
      %dma_wait3A_124 = tpu.memref_slice %arg5[%add3A, %dma_wait3A_122, %dma_wait3A_123] : memref<32x96x128xi32, #tpu.memory_space<hbm>> -> memref<1x96x128xi32, #tpu.memory_space<hbm>>
      %dma_wait3A_125 = tpu.memref_squeeze %dma_wait3A_124 : memref<1x96x128xi32, #tpu.memory_space<hbm>> -> memref<96x128xi32, #tpu.memory_space<hbm>>
      %dma_wait3A_126 = arith.constant 0 : i32
      %dma_wait3A_127 = arith.constant 0 : i32
      %dma_wait3A_128 = tpu.memref_slice %arg5[%add3A, %dma_wait3A_126, %dma_wait3A_127] : memref<32x96x128xi32, #tpu.memory_space<hbm>> -> memref<1x96x128xi32, #tpu.memory_space<hbm>>
      %dma_wait3A_129 = tpu.memref_squeeze %dma_wait3A_128 : memref<1x96x128xi32, #tpu.memory_space<hbm>> -> memref<96x128xi32, #tpu.memory_space<hbm>>
      tpu.wait_dma2 semaphore(%run_scoped3A : memref<!tpu.dma_semaphore, #tpu.memory_space<semaphore_mem>>) src(%dma_wait3A_129 : memref<96x128xi32, #tpu.memory_space<hbm>>) dst(%arg9 : memref<96x128xi32, #tpu.memory_space<vmem>>)
      tpu.yield
    }) : () -> ()
    %scan3A = arith.constant 0 : i32
    %scan3A_1 = arith.constant 0 : i32
    %scan3A_2 = arith.constant 96 : i32
    %scan3A_3 = arith.addi %scan3A_1, %scan3A_2 : i32
    %scan3A_4 = arith.constant 1 : i32
    scf.for %scan3A_114 = %scan3A_1 to %scan3A_3 step %scan3A_4  : i32 {
      %dma_start3A_115 = arith.constant 0 : i32
      %dma_start3A_116 = tpu.memref_slice %arg10[%scan3A_114, %dma_start3A_115] : memref<96x128xf32, #tpu.memory_space<vmem>> -> memref<1x128xf32, #tpu.memory_space<vmem>>
      %dma_start3A_117 = tpu.memref_squeeze %dma_start3A_116 : memref<1x128xf32, #tpu.memory_space<vmem>> -> memref<128xf32, #tpu.memory_space<vmem>>
      %dma_start3A_118 = arith.constant 0 : i32
      %dma_start3A_119 = tpu.memref_slice %arg9[%scan3A_114, %dma_start3A_118] : memref<96x128xi32, #tpu.memory_space<vmem>> -> memref<1x128xi32, #tpu.memory_space<vmem>>
      %dma_start3A_120 = tpu.memref_squeeze %dma_start3A_119 : memref<1x128xi32, #tpu.memory_space<vmem>> -> memref<128xi32, #tpu.memory_space<vmem>>
      %dma_start3A_121 = arith.constant 0 : i32
      %dma_start3A_122 = tpu.memref_slice %arg2[%dma_start3A_121] : memref<1572864xf32, #tpu.memory_space<hbm>> -> memref<1572864xf32, #tpu.memory_space<hbm>>
      tpu.enqueue_indirect_dma source(%dma_start3A_122 : memref<1572864xf32, #tpu.memory_space<hbm>>) target(%dma_start3A_117 : memref<128xf32, #tpu.memory_space<vmem>>) offsets(%dma_start3A_120 : memref<128xi32, #tpu.memory_space<vmem>>) semaphore(%arg14 : memref<!tpu.dma_semaphore, #tpu.memory_space<semaphore_mem>>)
    }
    %scan3A_5 = arith.constant 96 : i32
    %mul3A_6 = arith.constant 4096 : i32
    %mul3A_7 = arith.muli %add3A, %mul3A_6 : i32
    %dma_start3A = arith.constant 0 : i32
    %dma_start3A_8 = arith.constant 0 : i32
    %dma_start3A_9 = arith.constant 0 : i32
    %dma_start3A_10 = arith.constant 0 : i32
    %dma_start3A_11 = arith.constant 0 : i32
    %dma_start3A_12 = tpu.memref_slice %arg11[%dma_start3A_8, %dma_start3A_10, %dma_start3A_11] : memref<4x128x128xf32, #tpu.memory_space<vmem>> -> memref<1x128x128xf32, #tpu.memory_space<vmem>>
    %dma_start3A_13 = tpu.memref_squeeze %dma_start3A_12 : memref<1x128x128xf32, #tpu.memory_space<vmem>> -> memref<128x128xf32, #tpu.memory_space<vmem>>
    %dma_start3A_14 = arith.constant 0 : i32
    %dma_start3A_15 = tpu.memref_slice %arg8[%dma_start3A, %dma_start3A_14] : memref<32x128xi32, #tpu.memory_space<vmem>> -> memref<1x128xi32, #tpu.memory_space<vmem>>
    %dma_start3A_16 = tpu.memref_squeeze %dma_start3A_15 : memref<1x128xi32, #tpu.memory_space<vmem>> -> memref<128xi32, #tpu.memory_space<vmem>>
    %dma_start3A_17 = arith.constant 0 : i32
    %dma_start3A_18 = arith.constant 0 : i32
    %dma_start3A_19 = tpu.memref_slice %arg3[%dma_start3A_17, %dma_start3A_18] : memref<524288x128xf32, #tpu.memory_space<hbm>> -> memref<524288x128xf32, #tpu.memory_space<hbm>>
    %dma_start3A_20 = tpu.memref_slice %arg12[%dma_start3A_9] : memref<4x!tpu.dma_semaphore, #tpu.memory_space<semaphore_mem>> -> memref<1x!tpu.dma_semaphore, #tpu.memory_space<semaphore_mem>>
    %dma_start3A_21 = tpu.memref_squeeze %dma_start3A_20 : memref<1x!tpu.dma_semaphore, #tpu.memory_space<semaphore_mem>> -> memref<!tpu.dma_semaphore, #tpu.memory_space<semaphore_mem>>
    tpu.enqueue_indirect_dma source(%dma_start3A_19 : memref<524288x128xf32, #tpu.memory_space<hbm>>) target(%dma_start3A_13 : memref<128x128xf32, #tpu.memory_space<vmem>>) offsets(%dma_start3A_16 : memref<128xi32, #tpu.memory_space<vmem>>) semaphore(%dma_start3A_21 : memref<!tpu.dma_semaphore, #tpu.memory_space<semaphore_mem>>)
    %dma_start3A_22 = arith.constant 1 : i32
    %dma_start3A_23 = arith.constant 1 : i32
    %dma_start3A_24 = arith.constant 1 : i32
    %dma_start3A_25 = arith.constant 0 : i32
    %dma_start3A_26 = arith.constant 0 : i32
    %dma_start3A_27 = tpu.memref_slice %arg11[%dma_start3A_23, %dma_start3A_25, %dma_start3A_26] : memref<4x128x128xf32, #tpu.memory_space<vmem>> -> memref<1x128x128xf32, #tpu.memory_space<vmem>>
    %dma_start3A_28 = tpu.memref_squeeze %dma_start3A_27 : memref<1x128x128xf32, #tpu.memory_space<vmem>> -> memref<128x128xf32, #tpu.memory_space<vmem>>
    %dma_start3A_29 = arith.constant 0 : i32
    %dma_start3A_30 = tpu.memref_slice %arg8[%dma_start3A_22, %dma_start3A_29] : memref<32x128xi32, #tpu.memory_space<vmem>> -> memref<1x128xi32, #tpu.memory_space<vmem>>
    %dma_start3A_31 = tpu.memref_squeeze %dma_start3A_30 : memref<1x128xi32, #tpu.memory_space<vmem>> -> memref<128xi32, #tpu.memory_space<vmem>>
    %dma_start3A_32 = arith.constant 0 : i32
    %dma_start3A_33 = arith.constant 0 : i32
    %dma_start3A_34 = tpu.memref_slice %arg3[%dma_start3A_32, %dma_start3A_33] : memref<524288x128xf32, #tpu.memory_space<hbm>> -> memref<524288x128xf32, #tpu.memory_space<hbm>>
    %dma_start3A_35 = tpu.memref_slice %arg12[%dma_start3A_24] : memref<4x!tpu.dma_semaphore, #tpu.memory_space<semaphore_mem>> -> memref<1x!tpu.dma_semaphore, #tpu.memory_space<semaphore_mem>>
    %dma_start3A_36 = tpu.memref_squeeze %dma_start3A_35 : memref<1x!tpu.dma_semaphore, #tpu.memory_space<semaphore_mem>> -> memref<!tpu.dma_semaphore, #tpu.memory_space<semaphore_mem>>
    tpu.enqueue_indirect_dma source(%dma_start3A_34 : memref<524288x128xf32, #tpu.memory_space<hbm>>) target(%dma_start3A_28 : memref<128x128xf32, #tpu.memory_space<vmem>>) offsets(%dma_start3A_31 : memref<128xi32, #tpu.memory_space<vmem>>) semaphore(%dma_start3A_36 : memref<!tpu.dma_semaphore, #tpu.memory_space<semaphore_mem>>)
    %scan3A_37 = arith.constant 0 : i32
    %scan3A_38 = arith.constant 0 : i32
    %scan3A_39 = arith.constant 32 : i32
    %scan3A_40 = arith.addi %scan3A_38, %scan3A_39 : i32
    %scan3A_41 = arith.constant 1 : i32
    scf.for %scan3A_114 = %scan3A_38 to %scan3A_40 step %scan3A_41  : i32 {
      %add3A_115 = arith.constant 2 : i32
      %add3A_116 = arith.addi %scan3A_114, %add3A_115 : i32
      %rem3A = arith.constant 4 : i32
      %rem3A_117 = arith.remsi %add3A_116, %rem3A : i32
      %lt3A = arith.constant 32 : i32
      %lt3A_118 = arith.cmpi slt, %add3A_116, %lt3A : i32
      %convert_element_type3A = arith.extui %lt3A_118 : i1 to i32
      %cond3A = arith.constant 0 : i32
      %cond3A_119 = arith.cmpi ne, %convert_element_type3A, %cond3A : i32
      scf.if %cond3A_119 {
        %ge3A = arith.constant 4 : i32
        %ge3A_151 = arith.cmpi sge, %add3A_116, %ge3A : i32
        %convert_element_type3A_152 = arith.extui %ge3A_151 : i1 to i32
        %cond3A_153 = arith.constant 0 : i32
        %cond3A_154 = arith.cmpi ne, %convert_element_type3A_152, %cond3A_153 : i32
        scf.if %cond3A_154 {
          %dma_wait3A_167 = arith.constant 0 : i32
          %dma_wait3A_168 = arith.constant 0 : i32
          %dma_wait3A_169 = tpu.memref_slice %arg11[%rem3A_117, %dma_wait3A_167, %dma_wait3A_168] : memref<4x128x128xf32, #tpu.memory_space<vmem>> -> memref<1x128x128xf32, #tpu.memory_space<vmem>>
          %dma_wait3A_170 = tpu.memref_squeeze %dma_wait3A_169 : memref<1x128x128xf32, #tpu.memory_space<vmem>> -> memref<128x128xf32, #tpu.memory_space<vmem>>
          %dma_wait3A_171 = arith.constant 0 : i32
          %dma_wait3A_172 = tpu.memref_slice %arg7[%mul3A_7, %dma_wait3A_171] : memref<131072x128xf32, #tpu.memory_space<hbm>> -> memref<128x128xf32, #tpu.memory_space<hbm>>
          %dma_wait3A_173 = tpu.memref_slice %arg13[%rem3A_117] : memref<4x!tpu.dma_semaphore, #tpu.memory_space<semaphore_mem>> -> memref<1x!tpu.dma_semaphore, #tpu.memory_space<semaphore_mem>>
          %dma_wait3A_174 = tpu.memref_squeeze %dma_wait3A_173 : memref<1x!tpu.dma_semaphore, #tpu.memory_space<semaphore_mem>> -> memref<!tpu.dma_semaphore, #tpu.memory_space<semaphore_mem>>
          %dma_wait3A_175 = arith.constant 0 : i32
          %dma_wait3A_176 = tpu.memref_slice %arg7[%mul3A_7, %dma_wait3A_175] : memref<131072x128xf32, #tpu.memory_space<hbm>> -> memref<128x128xf32, #tpu.memory_space<hbm>>
          %dma_wait3A_177 = arith.constant 0 : i32
          %dma_wait3A_178 = arith.constant 0 : i32
          %dma_wait3A_179 = tpu.memref_slice %arg11[%rem3A_117, %dma_wait3A_177, %dma_wait3A_178] : memref<4x128x128xf32, #tpu.memory_space<vmem>> -> memref<1x128x128xf32, #tpu.memory_space<vmem>>
          %dma_wait3A_180 = tpu.memref_squeeze %dma_wait3A_179 : memref<1x128x128xf32, #tpu.memory_space<vmem>> -> memref<128x128xf32, #tpu.memory_space<vmem>>
          tpu.wait_dma2 semaphore(%dma_wait3A_174 : memref<!tpu.dma_semaphore, #tpu.memory_space<semaphore_mem>>) src(%dma_wait3A_180 : memref<128x128xf32, #tpu.memory_space<vmem>>) dst(%dma_wait3A_176 : memref<128x128xf32, #tpu.memory_space<hbm>>)
        } else {
        }
        %dma_start3A_155 = arith.constant 0 : i32
        %dma_start3A_156 = arith.constant 0 : i32
        %dma_start3A_157 = tpu.memref_slice %arg11[%rem3A_117, %dma_start3A_155, %dma_start3A_156] : memref<4x128x128xf32, #tpu.memory_space<vmem>> -> memref<1x128x128xf32, #tpu.memory_space<vmem>>
        %dma_start3A_158 = tpu.memref_squeeze %dma_start3A_157 : memref<1x128x128xf32, #tpu.memory_space<vmem>> -> memref<128x128xf32, #tpu.memory_space<vmem>>
        %dma_start3A_159 = arith.constant 0 : i32
        %dma_start3A_160 = tpu.memref_slice %arg8[%add3A_116, %dma_start3A_159] : memref<32x128xi32, #tpu.memory_space<vmem>> -> memref<1x128xi32, #tpu.memory_space<vmem>>
        %dma_start3A_161 = tpu.memref_squeeze %dma_start3A_160 : memref<1x128xi32, #tpu.memory_space<vmem>> -> memref<128xi32, #tpu.memory_space<vmem>>
        %dma_start3A_162 = arith.constant 0 : i32
        %dma_start3A_163 = arith.constant 0 : i32
        %dma_start3A_164 = tpu.memref_slice %arg3[%dma_start3A_162, %dma_start3A_163] : memref<524288x128xf32, #tpu.memory_space<hbm>> -> memref<524288x128xf32, #tpu.memory_space<hbm>>
        %dma_start3A_165 = tpu.memref_slice %arg12[%rem3A_117] : memref<4x!tpu.dma_semaphore, #tpu.memory_space<semaphore_mem>> -> memref<1x!tpu.dma_semaphore, #tpu.memory_space<semaphore_mem>>
        %dma_start3A_166 = tpu.memref_squeeze %dma_start3A_165 : memref<1x!tpu.dma_semaphore, #tpu.memory_space<semaphore_mem>> -> memref<!tpu.dma_semaphore, #tpu.memory_space<semaphore_mem>>
        tpu.enqueue_indirect_dma source(%dma_start3A_164 : memref<524288x128xf32, #tpu.memory_space<hbm>>) target(%dma_start3A_158 : memref<128x128xf32, #tpu.memory_space<vmem>>) offsets(%dma_start3A_161 : memref<128xi32, #tpu.memory_space<vmem>>) semaphore(%dma_start3A_166 : memref<!tpu.dma_semaphore, #tpu.memory_space<semaphore_mem>>)
      } else {
      }
      %rem3A_120 = arith.constant 4 : i32
      %rem3A_121 = arith.remsi %scan3A_114, %rem3A_120 : i32
      %dma_wait3A_122 = arith.constant 0 : i32
      %dma_wait3A_123 = arith.constant 0 : i32
      %dma_wait3A_124 = tpu.memref_slice %arg11[%rem3A_121, %dma_wait3A_122, %dma_wait3A_123] : memref<4x128x128xf32, #tpu.memory_space<vmem>> -> memref<1x128x128xf32, #tpu.memory_space<vmem>>
      %dma_wait3A_125 = tpu.memref_squeeze %dma_wait3A_124 : memref<1x128x128xf32, #tpu.memory_space<vmem>> -> memref<128x128xf32, #tpu.memory_space<vmem>>
      %dma_wait3A_126 = arith.constant 0 : i32
      %dma_wait3A_127 = tpu.memref_slice %arg8[%scan3A_114, %dma_wait3A_126] : memref<32x128xi32, #tpu.memory_space<vmem>> -> memref<1x128xi32, #tpu.memory_space<vmem>>
      %dma_wait3A_128 = tpu.memref_squeeze %dma_wait3A_127 : memref<1x128xi32, #tpu.memory_space<vmem>> -> memref<128xi32, #tpu.memory_space<vmem>>
      %dma_wait3A_129 = arith.constant 0 : i32
      %dma_wait3A_130 = arith.constant 0 : i32
      %dma_wait3A_131 = tpu.memref_slice %arg3[%dma_wait3A_129, %dma_wait3A_130] : memref<524288x128xf32, #tpu.memory_space<hbm>> -> memref<524288x128xf32, #tpu.memory_space<hbm>>
      %dma_wait3A_132 = tpu.memref_slice %arg12[%rem3A_121] : memref<4x!tpu.dma_semaphore, #tpu.memory_space<semaphore_mem>> -> memref<1x!tpu.dma_semaphore, #tpu.memory_space<semaphore_mem>>
      %dma_wait3A_133 = tpu.memref_squeeze %dma_wait3A_132 : memref<1x!tpu.dma_semaphore, #tpu.memory_space<semaphore_mem>> -> memref<!tpu.dma_semaphore, #tpu.memory_space<semaphore_mem>>
      tpu.wait_indirect_dma semaphore(%dma_wait3A_133 : memref<!tpu.dma_semaphore, #tpu.memory_space<semaphore_mem>>) src(%dma_wait3A_131 : memref<524288x128xf32, #tpu.memory_space<hbm>>) dst(%dma_wait3A_125 : memref<128x128xf32, #tpu.memory_space<vmem>>)
      %mul3A_134 = arith.constant 128 : i32
      %mul3A_135 = arith.muli %scan3A_114, %mul3A_134 : i32
      %add3A_136 = arith.addi %mul3A_7, %mul3A_135 : i32
      %dma_start3A_137 = arith.constant 0 : i32
      %dma_start3A_138 = arith.constant 0 : i32
      %dma_start3A_139 = tpu.memref_slice %arg11[%rem3A_121, %dma_start3A_137, %dma_start3A_138] : memref<4x128x128xf32, #tpu.memory_space<vmem>> -> memref<1x128x128xf32, #tpu.memory_space<vmem>>
      %dma_start3A_140 = tpu.memref_squeeze %dma_start3A_139 : memref<1x128x128xf32, #tpu.memory_space<vmem>> -> memref<128x128xf32, #tpu.memory_space<vmem>>
      %dma_start3A_141 = arith.constant 0 : i32
      %dma_start3A_142 = tpu.memref_slice %arg7[%add3A_136, %dma_start3A_141] : memref<131072x128xf32, #tpu.memory_space<hbm>> -> memref<128x128xf32, #tpu.memory_space<hbm>>
      %dma_start3A_143 = tpu.memref_slice %arg13[%rem3A_121] : memref<4x!tpu.dma_semaphore, #tpu.memory_space<semaphore_mem>> -> memref<1x!tpu.dma_semaphore, #tpu.memory_space<semaphore_mem>>
      %dma_start3A_144 = tpu.memref_squeeze %dma_start3A_143 : memref<1x!tpu.dma_semaphore, #tpu.memory_space<semaphore_mem>> -> memref<!tpu.dma_semaphore, #tpu.memory_space<semaphore_mem>>
      %dma_start3A_145 = arith.constant 0 : i32
      %dma_start3A_146 = tpu.memref_slice %arg7[%add3A_136, %dma_start3A_145] : memref<131072x128xf32, #tpu.memory_space<hbm>> -> memref<128x128xf32, #tpu.memory_space<hbm>>
      %dma_start3A_147 = arith.constant 0 : i32
      %dma_start3A_148 = arith.constant 0 : i32
      %dma_start3A_149 = tpu.memref_slice %arg11[%rem3A_121, %dma_start3A_147, %dma_start3A_148] : memref<4x128x128xf32, #tpu.memory_space<vmem>> -> memref<1x128x128xf32, #tpu.memory_space<vmem>>
      %dma_start3A_150 = tpu.memref_squeeze %dma_start3A_149 : memref<1x128x128xf32, #tpu.memory_space<vmem>> -> memref<128x128xf32, #tpu.memory_space<vmem>>
      tpu.enqueue_dma source(%dma_start3A_150 : memref<128x128xf32, #tpu.memory_space<vmem>>) target(%dma_start3A_146 : memref<128x128xf32, #tpu.memory_space<hbm>>) target_semaphore(%dma_start3A_144 : memref<!tpu.dma_semaphore, #tpu.memory_space<semaphore_mem>>)
    }
    %scan3A_42 = arith.constant 32 : i32
    %dma_wait3A = arith.constant 0 : i32
    %dma_wait3A_43 = arith.constant 0 : i32
    %dma_wait3A_44 = arith.constant 0 : i32
    %dma_wait3A_45 = arith.constant 0 : i32
    %dma_wait3A_46 = tpu.memref_slice %arg11[%dma_wait3A, %dma_wait3A_44, %dma_wait3A_45] : memref<4x128x128xf32, #tpu.memory_space<vmem>> -> memref<1x128x128xf32, #tpu.memory_space<vmem>>
    %dma_wait3A_47 = tpu.memref_squeeze %dma_wait3A_46 : memref<1x128x128xf32, #tpu.memory_space<vmem>> -> memref<128x128xf32, #tpu.memory_space<vmem>>
    %dma_wait3A_48 = arith.constant 0 : i32
    %dma_wait3A_49 = tpu.memref_slice %arg7[%mul3A_7, %dma_wait3A_48] : memref<131072x128xf32, #tpu.memory_space<hbm>> -> memref<128x128xf32, #tpu.memory_space<hbm>>
    %dma_wait3A_50 = tpu.memref_slice %arg13[%dma_wait3A_43] : memref<4x!tpu.dma_semaphore, #tpu.memory_space<semaphore_mem>> -> memref<1x!tpu.dma_semaphore, #tpu.memory_space<semaphore_mem>>
    %dma_wait3A_51 = tpu.memref_squeeze %dma_wait3A_50 : memref<1x!tpu.dma_semaphore, #tpu.memory_space<semaphore_mem>> -> memref<!tpu.dma_semaphore, #tpu.memory_space<semaphore_mem>>
    %dma_wait3A_52 = arith.constant 0 : i32
    %dma_wait3A_53 = tpu.memref_slice %arg7[%mul3A_7, %dma_wait3A_52] : memref<131072x128xf32, #tpu.memory_space<hbm>> -> memref<128x128xf32, #tpu.memory_space<hbm>>
    %dma_wait3A_54 = arith.constant 0 : i32
    %dma_wait3A_55 = arith.constant 0 : i32
    %dma_wait3A_56 = tpu.memref_slice %arg11[%dma_wait3A, %dma_wait3A_54, %dma_wait3A_55] : memref<4x128x128xf32, #tpu.memory_space<vmem>> -> memref<1x128x128xf32, #tpu.memory_space<vmem>>
    %dma_wait3A_57 = tpu.memref_squeeze %dma_wait3A_56 : memref<1x128x128xf32, #tpu.memory_space<vmem>> -> memref<128x128xf32, #tpu.memory_space<vmem>>
    tpu.wait_dma2 semaphore(%dma_wait3A_51 : memref<!tpu.dma_semaphore, #tpu.memory_space<semaphore_mem>>) src(%dma_wait3A_57 : memref<128x128xf32, #tpu.memory_space<vmem>>) dst(%dma_wait3A_53 : memref<128x128xf32, #tpu.memory_space<hbm>>)
    %dma_wait3A_58 = arith.constant 1 : i32
    %dma_wait3A_59 = arith.constant 1 : i32
    %dma_wait3A_60 = arith.constant 0 : i32
    %dma_wait3A_61 = arith.constant 0 : i32
    %dma_wait3A_62 = tpu.memref_slice %arg11[%dma_wait3A_58, %dma_wait3A_60, %dma_wait3A_61] : memref<4x128x128xf32, #tpu.memory_space<vmem>> -> memref<1x128x128xf32, #tpu.memory_space<vmem>>
    %dma_wait3A_63 = tpu.memref_squeeze %dma_wait3A_62 : memref<1x128x128xf32, #tpu.memory_space<vmem>> -> memref<128x128xf32, #tpu.memory_space<vmem>>
    %dma_wait3A_64 = arith.constant 0 : i32
    %dma_wait3A_65 = tpu.memref_slice %arg7[%mul3A_7, %dma_wait3A_64] : memref<131072x128xf32, #tpu.memory_space<hbm>> -> memref<128x128xf32, #tpu.memory_space<hbm>>
    %dma_wait3A_66 = tpu.memref_slice %arg13[%dma_wait3A_59] : memref<4x!tpu.dma_semaphore, #tpu.memory_space<semaphore_mem>> -> memref<1x!tpu.dma_semaphore, #tpu.memory_space<semaphore_mem>>
    %dma_wait3A_67 = tpu.memref_squeeze %dma_wait3A_66 : memref<1x!tpu.dma_semaphore, #tpu.memory_space<semaphore_mem>> -> memref<!tpu.dma_semaphore, #tpu.memory_space<semaphore_mem>>
    %dma_wait3A_68 = arith.constant 0 : i32
    %dma_wait3A_69 = tpu.memref_slice %arg7[%mul3A_7, %dma_wait3A_68] : memref<131072x128xf32, #tpu.memory_space<hbm>> -> memref<128x128xf32, #tpu.memory_space<hbm>>
    %dma_wait3A_70 = arith.constant 0 : i32
    %dma_wait3A_71 = arith.constant 0 : i32
    %dma_wait3A_72 = tpu.memref_slice %arg11[%dma_wait3A_58, %dma_wait3A_70, %dma_wait3A_71] : memref<4x128x128xf32, #tpu.memory_space<vmem>> -> memref<1x128x128xf32, #tpu.memory_space<vmem>>
    %dma_wait3A_73 = tpu.memref_squeeze %dma_wait3A_72 : memref<1x128x128xf32, #tpu.memory_space<vmem>> -> memref<128x128xf32, #tpu.memory_space<vmem>>
    tpu.wait_dma2 semaphore(%dma_wait3A_67 : memref<!tpu.dma_semaphore, #tpu.memory_space<semaphore_mem>>) src(%dma_wait3A_73 : memref<128x128xf32, #tpu.memory_space<vmem>>) dst(%dma_wait3A_69 : memref<128x128xf32, #tpu.memory_space<hbm>>)
    %dma_wait3A_74 = arith.constant 2 : i32
    %dma_wait3A_75 = arith.constant 2 : i32
    %dma_wait3A_76 = arith.constant 0 : i32
    %dma_wait3A_77 = arith.constant 0 : i32
    %dma_wait3A_78 = tpu.memref_slice %arg11[%dma_wait3A_74, %dma_wait3A_76, %dma_wait3A_77] : memref<4x128x128xf32, #tpu.memory_space<vmem>> -> memref<1x128x128xf32, #tpu.memory_space<vmem>>
    %dma_wait3A_79 = tpu.memref_squeeze %dma_wait3A_78 : memref<1x128x128xf32, #tpu.memory_space<vmem>> -> memref<128x128xf32, #tpu.memory_space<vmem>>
    %dma_wait3A_80 = arith.constant 0 : i32
    %dma_wait3A_81 = tpu.memref_slice %arg7[%mul3A_7, %dma_wait3A_80] : memref<131072x128xf32, #tpu.memory_space<hbm>> -> memref<128x128xf32, #tpu.memory_space<hbm>>
    %dma_wait3A_82 = tpu.memref_slice %arg13[%dma_wait3A_75] : memref<4x!tpu.dma_semaphore, #tpu.memory_space<semaphore_mem>> -> memref<1x!tpu.dma_semaphore, #tpu.memory_space<semaphore_mem>>
    %dma_wait3A_83 = tpu.memref_squeeze %dma_wait3A_82 : memref<1x!tpu.dma_semaphore, #tpu.memory_space<semaphore_mem>> -> memref<!tpu.dma_semaphore, #tpu.memory_space<semaphore_mem>>
    %dma_wait3A_84 = arith.constant 0 : i32
    %dma_wait3A_85 = tpu.memref_slice %arg7[%mul3A_7, %dma_wait3A_84] : memref<131072x128xf32, #tpu.memory_space<hbm>> -> memref<128x128xf32, #tpu.memory_space<hbm>>
    %dma_wait3A_86 = arith.constant 0 : i32
    %dma_wait3A_87 = arith.constant 0 : i32
    %dma_wait3A_88 = tpu.memref_slice %arg11[%dma_wait3A_74, %dma_wait3A_86, %dma_wait3A_87] : memref<4x128x128xf32, #tpu.memory_space<vmem>> -> memref<1x128x128xf32, #tpu.memory_space<vmem>>
    %dma_wait3A_89 = tpu.memref_squeeze %dma_wait3A_88 : memref<1x128x128xf32, #tpu.memory_space<vmem>> -> memref<128x128xf32, #tpu.memory_space<vmem>>
    tpu.wait_dma2 semaphore(%dma_wait3A_83 : memref<!tpu.dma_semaphore, #tpu.memory_space<semaphore_mem>>) src(%dma_wait3A_89 : memref<128x128xf32, #tpu.memory_space<vmem>>) dst(%dma_wait3A_85 : memref<128x128xf32, #tpu.memory_space<hbm>>)
    %dma_wait3A_90 = arith.constant 3 : i32
    %dma_wait3A_91 = arith.constant 3 : i32
    %dma_wait3A_92 = arith.constant 0 : i32
    %dma_wait3A_93 = arith.constant 0 : i32
    %dma_wait3A_94 = tpu.memref_slice %arg11[%dma_wait3A_90, %dma_wait3A_92, %dma_wait3A_93] : memref<4x128x128xf32, #tpu.memory_space<vmem>> -> memref<1x128x128xf32, #tpu.memory_space<vmem>>
    %dma_wait3A_95 = tpu.memref_squeeze %dma_wait3A_94 : memref<1x128x128xf32, #tpu.memory_space<vmem>> -> memref<128x128xf32, #tpu.memory_space<vmem>>
    %dma_wait3A_96 = arith.constant 0 : i32
    %dma_wait3A_97 = tpu.memref_slice %arg7[%mul3A_7, %dma_wait3A_96] : memref<131072x128xf32, #tpu.memory_space<hbm>> -> memref<128x128xf32, #tpu.memory_space<hbm>>
    %dma_wait3A_98 = tpu.memref_slice %arg13[%dma_wait3A_91] : memref<4x!tpu.dma_semaphore, #tpu.memory_space<semaphore_mem>> -> memref<1x!tpu.dma_semaphore, #tpu.memory_space<semaphore_mem>>
    %dma_wait3A_99 = tpu.memref_squeeze %dma_wait3A_98 : memref<1x!tpu.dma_semaphore, #tpu.memory_space<semaphore_mem>> -> memref<!tpu.dma_semaphore, #tpu.memory_space<semaphore_mem>>
    %dma_wait3A_100 = arith.constant 0 : i32
    %dma_wait3A_101 = tpu.memref_slice %arg7[%mul3A_7, %dma_wait3A_100] : memref<131072x128xf32, #tpu.memory_space<hbm>> -> memref<128x128xf32, #tpu.memory_space<hbm>>
    %dma_wait3A_102 = arith.constant 0 : i32
    %dma_wait3A_103 = arith.constant 0 : i32
    %dma_wait3A_104 = tpu.memref_slice %arg11[%dma_wait3A_90, %dma_wait3A_102, %dma_wait3A_103] : memref<4x128x128xf32, #tpu.memory_space<vmem>> -> memref<1x128x128xf32, #tpu.memory_space<vmem>>
    %dma_wait3A_105 = tpu.memref_squeeze %dma_wait3A_104 : memref<1x128x128xf32, #tpu.memory_space<vmem>> -> memref<128x128xf32, #tpu.memory_space<vmem>>
    tpu.wait_dma2 semaphore(%dma_wait3A_99 : memref<!tpu.dma_semaphore, #tpu.memory_space<semaphore_mem>>) src(%dma_wait3A_105 : memref<128x128xf32, #tpu.memory_space<vmem>>) dst(%dma_wait3A_101 : memref<128x128xf32, #tpu.memory_space<hbm>>)
    %scan3A_106 = arith.constant 0 : i32
    %scan3A_107 = arith.constant 0 : i32
    %scan3A_108 = arith.constant 96 : i32
    %scan3A_109 = arith.addi %scan3A_107, %scan3A_108 : i32
    %scan3A_110 = arith.constant 1 : i32
    scf.for %scan3A_114 = %scan3A_107 to %scan3A_109 step %scan3A_110  : i32 {
      %dma_wait3A_115 = arith.constant 0 : i32
      %dma_wait3A_116 = tpu.memref_slice %arg10[%scan3A_114, %dma_wait3A_115] : memref<96x128xf32, #tpu.memory_space<vmem>> -> memref<1x128xf32, #tpu.memory_space<vmem>>
      %dma_wait3A_117 = tpu.memref_squeeze %dma_wait3A_116 : memref<1x128xf32, #tpu.memory_space<vmem>> -> memref<128xf32, #tpu.memory_space<vmem>>
      %dma_wait3A_118 = arith.constant 0 : i32
      %dma_wait3A_119 = tpu.memref_slice %arg9[%scan3A_114, %dma_wait3A_118] : memref<96x128xi32, #tpu.memory_space<vmem>> -> memref<1x128xi32, #tpu.memory_space<vmem>>
      %dma_wait3A_120 = tpu.memref_squeeze %dma_wait3A_119 : memref<1x128xi32, #tpu.memory_space<vmem>> -> memref<128xi32, #tpu.memory_space<vmem>>
      %dma_wait3A_121 = arith.constant 0 : i32
      %dma_wait3A_122 = tpu.memref_slice %arg2[%dma_wait3A_121] : memref<1572864xf32, #tpu.memory_space<hbm>> -> memref<1572864xf32, #tpu.memory_space<hbm>>
      tpu.wait_indirect_dma semaphore(%arg14 : memref<!tpu.dma_semaphore, #tpu.memory_space<semaphore_mem>>) src(%dma_wait3A_122 : memref<1572864xf32, #tpu.memory_space<hbm>>) dst(%dma_wait3A_117 : memref<128xf32, #tpu.memory_space<vmem>>)
    }
    %scan3A_111 = arith.constant 96 : i32
    %mul3A_112 = arith.constant 96 : i32
    %mul3A_113 = arith.muli %add3A, %mul3A_112 : i32
    "tpu.region"() ({
      %run_scoped3A = tpu.sem_alloc : memref<!tpu.dma_semaphore, #tpu.memory_space<semaphore_mem>>
      %dma_start3A_114 = arith.constant 0 : i32
      %dma_start3A_115 = tpu.memref_slice %arg6[%mul3A_113, %dma_start3A_114] : memref<3072x128xf32, #tpu.memory_space<hbm>> -> memref<96x128xf32, #tpu.memory_space<hbm>>
      %dma_start3A_116 = arith.constant 0 : i32
      %dma_start3A_117 = tpu.memref_slice %arg6[%mul3A_113, %dma_start3A_116] : memref<3072x128xf32, #tpu.memory_space<hbm>> -> memref<96x128xf32, #tpu.memory_space<hbm>>
      tpu.enqueue_dma source(%arg10 : memref<96x128xf32, #tpu.memory_space<vmem>>) target(%dma_start3A_117 : memref<96x128xf32, #tpu.memory_space<hbm>>) target_semaphore(%run_scoped3A : memref<!tpu.dma_semaphore, #tpu.memory_space<semaphore_mem>>)
      %dma_wait3A_118 = arith.constant 0 : i32
      %dma_wait3A_119 = tpu.memref_slice %arg6[%mul3A_113, %dma_wait3A_118] : memref<3072x128xf32, #tpu.memory_space<hbm>> -> memref<96x128xf32, #tpu.memory_space<hbm>>
      %dma_wait3A_120 = arith.constant 0 : i32
      %dma_wait3A_121 = tpu.memref_slice %arg6[%mul3A_113, %dma_wait3A_120] : memref<3072x128xf32, #tpu.memory_space<hbm>> -> memref<96x128xf32, #tpu.memory_space<hbm>>
      tpu.wait_dma2 semaphore(%run_scoped3A : memref<!tpu.dma_semaphore, #tpu.memory_space<semaphore_mem>>) src(%arg10 : memref<96x128xf32, #tpu.memory_space<vmem>>) dst(%dma_wait3A_121 : memref<96x128xf32, #tpu.memory_space<hbm>>)
      tpu.yield
    }) : () -> ()
    return
  }
}

</mosaic_0001>

<sc_bundles>
// kernel: kernel.3.cloned.1.call-start
scs
__scs_entry_jumppad:
0x0: {  	(pc) =	sbr.rel $0x88, $3  }
0x1: {  	(tag) =	ssettag $0x0;
	lr =	simm.s32 $0x1  }
0x2: {  	[smem:$0x3F9F] =	sst lr;
	_ =	strace $0xD0000000  }
0x3: {  	_ = 	snop  }
0x4: {  	_ = 	snop  }
0x5: {  	_ = 	snop  }
0x6: {  	_ = 	snop  }
0x7: {  	_ = 	snop  }
__scs_overlays_trampoline_lowered:
0x8: {  	[smem:$0x3FAE] =	sst s0  }
0x9: {  	[smem:$0x3FAF] =	sst s1  }
0xa: {  	[smem:$0x3FB0] =	sst s2  }
0xb: {  	[smem:$0x3FB1] =	sst s3  }
0xc: {  	[smem:$0x3FB2] =	sst s4  }
0xd: {  	[smem:$0x3FB3] =	sst s5  }
0xe: {  	[smem:$0x3FB4] =	sst s6  }
0xf: {  	[smem:$0x3FB5] =	sst s7  }
0x10: {  	[smem:$0x3FB6] =	sst s8  }
0x11: {  	[smem:$0x3FB7] =	sst s9;
	s0 =	simm.s32 @!p0 $0x0  }
0x12: {  	s1 =	sld [smem:$0x3F9D];
	s0 =	simm.s32 @p0 $0x1  }
0x13: {  	[smem:$0x3FB8] =	sst s0;
	s0 =	simm.s32 @!p1 $0x0  }
0x14: {  	s2 =	sld [smem:$0x3F9C];
	s0 =	simm.s32 @p1 $0x1  }
0x15: {  	[smem:$0x3FB9] =	sst s0;
	s0 =	simm.s32 @!p2 $0x0  }
0x16: {  	s3 =	sld [smem:$0x3FDB];
	s0 =	simm.s32 @p2 $0x1  }
0x17: {  	s4 =	simm.s32 $0x1BF5;
	[smem:$0x3FBB] =	sst s0  }
0x18: {  	s0 =	sld [smem:$0x3F9E];
	_ =	swait.ge [sflag:s4], $0x0  }
0x19: {  	s7 =	sld [smem:$0x3F9F]  }
0x1a: {  	s8 =	sadd.s32 $0xFFFFE003, lr  }
0x1b: {  	s9 =	sadd.s32 $0xFFFFFEF7, lr;
	s5 =	simm.s32 $0xFFFFFFFF;
	p2 =	slt.u32 s8, $0xFFFFF086  }
0x1c: {  	p1 =	slt.u32 s9, $0xF7A;
	s5 =	simm.s32 @!p2 $0x0  }
0x1d: {  	s5 =	simm.s32 @p1 $0x1;
	p0 =	seq.s32 s7, s2  }
0x1e: {  	s7 =	smul.u32 @!p0 $0xF7A, s2;
	p2 =	seq.s32 @!p0 s5, $0x0  }
0x1f: {  	s9 =	smul.u32 $0xF7A, s1;
	s8 =	simm.s32 @!p0 $0x1BF5;
	p2 =	por !p2, p0  }
0x20: {  	[sflag:s8] =	ssyncset.s32 @!p0 $0xFFFFF086;
	s6 =	sadd.s32 @!p0 s3, s7;
	s7 =	simm.s32 @!p0 $0x108  }
0x21: {  	s3 =	sadd.s32 s3, s9;
	s6 =	sadd.s32 @!p0 $0x88, s6;
	s7 =	simm.s32 @p2 $0x1082  }
0x22: {  	[simem:s7], [sflag:s8] =	dma.local @!p0 [hbm:s6], $0xF7A  }
0x23: {  	s9 =	sor.u32 $0xD0000000, s2;
	s6 =	simm.s32 $0x108;
	_ =	swait.ge @!p0 [sflag:s8], $0x0  }
0x24: {  	s3 =	sadd.s32 $0x88, s3;
	s6 =	simm.s32 @!p1 $0x1082;
	[sflag:s4] =	ssyncset.s32 $0xFFFFF086  }
0x25: {  	[simem:s6], [sflag:s4] =	dma.local [hbm:s3], $0xF7A  }
0x26: {  	[smem:$0x3F9F] =	sst s1;
	(tag) =	ssettag s2;
	_ =	strace s9  }
0x27: {  	s1 =	sld [smem:$0x3FAF]  }
0x28: {  	s2 =	sld [smem:$0x3FB0]  }
0x29: {  	s4 =	sld [smem:$0x3FB2]  }
0x2a: {  	p0 =	seq.s32 s5, $0x0;
	s5 =	sld [smem:$0x3FB3]  }
0x2b: {  	s6 =	sld [smem:$0x3FB4]  }
0x2c: {  	s7 =	sld [smem:$0x3FB5]  }
0x2d: {  	s3 =	simm.s32 $0x108;
	s8 =	sld [smem:$0x3FB6]  }
0x2e: {  	s3 =	simm.s32 @!p0 $0x1082;
	s9 =	sld [smem:$0x3FB7]  }
0x2f: {  	lr =	sadd.s32 s0, s3;
	s0 =	sld [smem:$0x3FAE]  }
0x30: {  	s3 =	sld [smem:$0x3FB1]  }
0x31: {  	[smem:$0x3FBA] =	sst s10  }
0x32: {  	s10 =	sld [smem:$0x3FB8];
	_ =	sdelay $0x3  }
0x33: {  	p0 =	seq.s32 s10, $0x1;
	s10 =	sld [smem:$0x3FBA];
	_ =	sdelay $0x3  }
0x34: {  	[smem:$0x3FBA] =	sst s10  }
0x35: {  	s10 =	sld [smem:$0x3FB9];
	_ =	sdelay $0x3  }
0x36: {  	p1 =	seq.s32 s10, $0x1;
	s10 =	sld [smem:$0x3FBA];
	_ =	sdelay $0x3  }
0x37: {  	[smem:$0x3FBA] =	sst s10  }
0x38: {  	s10 =	sld [smem:$0x3FBB]  }
0x39: {  	_ = 	snop;
	(pc) =	sbr.ind lr, $3  }
0x3a: {  	_ = 	snop  }
0x3b: {  	_ = 	snop  }
0x3c: {  	p2 =	seq.s32 s10, $0x1;
	s10 =	sld [smem:$0x3FBA]  }
0x3d: {  	_ =	shalt  }
0x3e: {  	_ =	shalt  }
0x3f: {  	_ =	shalt  }
0x40: {  	_ =	shalt  }
0x41: {  	_ =	shalt  }
0x42: {  	_ =	shalt  }
0x43: {  	_ =	shalt  }
0x44: {  	_ =	shalt  }
0x45: {  	_ =	shalt  }
0x46: {  	_ =	shalt  }
0x47: {  	_ =	shalt  }
0x48: {  	_ =	shalt  }
0x49: {  	_ =	shalt  }
0x4a: {  	_ =	shalt  }
0x4b: {  	_ =	shalt  }
0x4c: {  	_ =	shalt  }
0x4d: {  	_ =	shalt  }
0x4e: {  	_ =	shalt  }
0x4f: {  	_ =	shalt  }
0x50: {  	_ =	shalt  }
0x51: {  	_ =	shalt  }
0x52: {  	_ =	shalt  }
0x53: {  	_ =	shalt  }
0x54: {  	_ =	shalt  }
0x55: {  	_ =	shalt  }
0x56: {  	_ =	shalt  }
0x57: {  	_ =	shalt  }
0x58: {  	_ =	shalt  }
0x59: {  	_ =	shalt  }
0x5a: {  	_ =	shalt  }
0x5b: {  	_ =	shalt  }
0x5c: {  	_ =	shalt  }
0x5d: {  	_ =	shalt  }
0x5e: {  	_ =	shalt  }
0x5f: {  	_ =	shalt  }
0x60: {  	_ =	shalt  }
0x61: {  	_ =	shalt  }
0x62: {  	_ =	shalt  }
0x63: {  	_ =	shalt  }
0x64: {  	_ =	shalt  }
0x65: {  	_ =	shalt  }
0x66: {  	_ =	shalt  }
0x67: {  	_ =	shalt  }
0x68: {  	_ =	shalt  }
0x69: {  	_ =	shalt  }
0x6a: {  	_ =	shalt  }
0x6b: {  	_ =	shalt  }
0x6c: {  	_ =	shalt  }
0x6d: {  	_ =	shalt  }
0x6e: {  	_ =	shalt  }
0x6f: {  	_ =	shalt  }
0x70: {  	_ =	shalt  }
0x71: {  	_ =	shalt  }
0x72: {  	_ =	shalt  }
0x73: {  	_ =	shalt  }
0x74: {  	_ =	shalt  }
0x75: {  	_ =	shalt  }
0x76: {  	_ =	shalt  }
0x77: {  	_ =	shalt  }
0x78: {  	_ =	shalt  }
0x79: {  	_ =	shalt  }
0x7a: {  	_ =	shalt  }
0x7b: {  	_ =	shalt  }
0x7c: {  	_ =	shalt  }
0x7d: {  	_ =	shalt  }
0x7e: {  	_ =	shalt  }
0x7f: {  	_ =	shalt  }
0x80: {  	_ =	shalt  }
0x81: {  	_ =	shalt  }
0x82: {  	_ =	shalt  }
0x83: {  	_ =	shalt  }
0x84: {  	_ =	shalt  }
0x85: {  	_ =	shalt  }
0x86: {  	_ =	shalt  }
0x87: {  	_ =	shalt  }
.Lfunc_end0:
.L_simem_size_0:
called_computation_lowered:
.L_overlay_start_0:
0x88: {  	s2 =	sld [smem:$0x3FD9]  }
0x89: {  	s3 =	sld [smem:$0x3FFE];
	_ =	sdelay $0x1  }
0x8a: {  	s1 =	srdreg.scid  }
0x8b: {  	s0 =	sand.u32 $0x1, s1  }
0x8c: {  	s14 =	sshll.u32 s0, $0xA;
	s2 =	sadd.s32 s3, s2  }
0x8d: {  	s2 =	sadd.s32 s2, s14  }
0x8e: {  	[smem:$0x3FC6] =	sst s2  }
0x8f: {  	_ = 	snop  }
0x90: {  	s2 =	sld [smem:$0x3FD0];
	_ =	sdelay $0x1  }
0x91: {  	s15 =	sld [smem:$0x3FC9]  }
0x92: {  	s5 =	simm.s32 $0xA;
	s6 =	simm.s32 $0x10;
	s4 =	sld [smem:$0x3FC8]  }
0x93: {  	[smem:s6], [sflag:s5] =	dma.local [hbm:s2], $0x1  }
0x94: {  	_ =	swait.eq [sflag:s5], $0x1  }
0x95: {  	[sflag:s5] =	ssyncset.done $0x0  }
0x96: {  	s16 =	sld [smem:$0x10];
	[sflag:s5] =	ssyncadd.s32 $0xFFFFFFFF  }
0x97: {  	s17 =	sld [smem:$0x11];
	(tm) =	ssettm $0x1  }
0x98: {  	s18 =	sld [smem:$0x3FFB];
	_ =	sdelay $0x3  }
0x99: {  	_ =	strace s18  }
0x9a: {  	s6 =	sld [smem:$0x3FFC];
	_ =	sdelay $0x3  }
0x9b: {  	_ =	strace s6  }
0x9c: {  	s6 =	sld [smem:$0x3FFD];
	_ =	sdelay $0x3  }
0x9d: {  	_ =	strace s6  }
0x9e: {  	_ =	strace $0x8FFFFFFF  }
0x9f: {  	s19 =	sld [smem:$0x3FDB];
	_ =	sdelay $0x1  }
0xa0: {  	s7 =	simm.s32 $_scs_section_size  }
0xa1: {  	s8 =	simm.s32 $_size__tile_overlayer_lowered;
	s9 =	simm.s32 $_tile_overlayer_lowered  }
0xa2: {  	s22 =	simm.s32 $0x1BFF;
	s21 =	sshll.u32 s9, $0x1;
	s6 =	sadd.s32 s7, s19  }
0xa3: {  	s10 =	simm.s32 $0x0;
	s20 =	sshll.u32 s8, $0x1;
	s8 =	sadd.s32 s21, s6  }
0xa4: {  	[timem:s10], [sflag:s22] =	dma.local [hbm:s8], s20  }
0xa5: {  	_ =	swait.ge [sflag:s22], s20  }
0xa6: {  	s7 =	ssub.s32 $0x0, s20;
	[sflag:s22] =	ssyncset.done $0x0  }
0xa7: {  	[sflag:s22] =	ssyncadd.s32 s7;
	_ =	sdelay $0x1  }
0xa8: {  	s23 =	simm.s32 $0x1B8B  }
0xa9: {  	_ =	swait.ge [sflag:s23], $0x1  }
0xaa: {  	[sflag:s23] =	ssyncset.done $0x0  }
0xab: {  	s25 =	simm.s32 $0x1B8E;
	s24 =	sld [smem:$0x3FFE];
	[sflag:s23] =	ssyncadd.s32 $0xFFFFFFFF  }
0xac: {  	s26 =	simm.s32 $execute0_lowered;
	[smem:$0x3FD2] =	sst s25  }
0xad: {  	s8 =	sshll.u32 s26, $0x1;
	_ =	strace $0x80000046;
	[dreg:$0x1] =	wrdreg $0xFFFFFFFF  }
0xae: {  	s28 =	simm.s32 $_size_execute0_lowered;
	s6 =	sadd.s32 s6, s8;
	[dreg:$0x0] =	wrdreg $0x0  }
0xaf: {  	s8 =	sshll.u32 s28, $0x1;
	[dreg:$0x2] =	wrdreg s6  }
0xb0: {  	[dreg:$0x3] =	wrdreg s8  }
0xb1: {  	[dreg:$0x4] =	wrdreg $0xC0  }
0xb2: {  	_ =	task [dreg:s10], $0x5FFFF  }
0xb3: {  	[dreg:$0x1] =	wrdreg $0xFFFFFFFF  }
0xb4: {  	[dreg:$0x0] =	wrdreg $0x60  }
0xb5: {  	[dreg:$0x2] =	wrdreg s15  }
0xb6: {  	[dreg:$0x3] =	wrdreg s4  }
0xb7: {  	[dreg:$0x4] =	wrdreg s24  }
0xb8: {  	[dreg:$0x5] =	wrdreg s16  }
0xb9: {  	[dreg:$0x6] =	wrdreg s17  }
0xba: {  	[dreg:$0x7] =	wrdreg $0x9  }
0xbb: {  	_ =	task.clear_ibuf [dreg:s10], $0x8FFFF;
	_ =	strace $0x90000046  }
0xbc: {  	s29 =	simm.s32 $0x9;
	_ =	strace $0x80000048  }
0xbd: {  	_ =	swait.ge [sflag:s29], $0x1  }
0xbe: {  	[sflag:s29] =	ssyncadd.s32 $0xFFFFFFFF  }
0xbf: {  	_ =	strace $0x90000048  }
0xc0: {  	_ =	sfence  }
0xc1: {  	s30 =	sld [smem:$0x0];
	_ =	sdelay $0x2  }
0xc2: {  	s31 =	sshll.u32 s1, $0xD;
	s1 =	sshrl.u32 s1, $0x2  }
0xc3: {  	s3 =	sand.u32 $0x4000, s31;
	s1 =	sadd.s32 s1, s30  }
0xc4: {  	s0 =	sor.u32 s3, s0;
	s1 =	sshll.u32 s1, $0x11  }
0xc5: {  	s0 =	sor.u32 s1, s0  }
0xc6: {  	s0 =	sadd.s32 $0x8F2B, s0  }
0xc7: {  	[sflag:s0] =	ssyncadd.remote.s32 $0x1  }
0xc8: {  	_ =	sfence.sel $0xFFFF  }
0xc9: {  	[dreg:$0x0] =	wrdreg $0xFFFFFFFF;
	(pc) =	sbr.abs _section_cstart, $3  }
0xca: {  	[dreg:$0x1] =	wrdreg $0xFFFFFFFF  }
0xcb: {  	_ =	task.clear_ibuf [dreg:s10], $0x2FFFF;
	_ =	strace $0x9FFFFFFF  }
0xcc: {  	(tm) =	ssettm $0x7FFFFFFF  }
0xcd: {  	_ =	shalt  }
tec
execute0_lowered:
.L_overlay_start_1:
0x0: {  	(tag) =	ssettag $0x1  }
0x1: {  	s0 =	rddreg [dreg:$0x0]  }
0x2: {  	s2 =	rddreg [dreg:$0x1]  }
0x3: {  	s1 =	rddreg [dreg:$0x2]  }
0x4: {  	s3 =	rddreg [dreg:$0x3]  }
0x5: {  	s4 =	srdreg.scid;
	s12 =	stileid.u32  }
0x6: {  	s5 =	rddreg [dreg:$0x4];
	s14 =	simm.s32 $0x80;
	s15 =	simm.s32 $0x7000  }
0x7: {  	s16 =	simm.s32 $0xB000;
	s19 =	simm.s32 $0x1;
	s28 =	simm.s32 $0x9  }
0x8: {  	s30 =	simm.s32 $0x0;
	s7 =	sand.u32 $0x1, s4;
	s6 =	sshll.u32 s12, $0x1  }
0x9: {  	s4 =	simm.s32 $0x0;
	s25 =	sshll.u32 s12, $0x11;
	s12 =	simm.s32 $0xA  }
0xa: {  	s8 =	sor.u32 s7, s6;
	[smem:$0x7FF] =	sst s4;
	s22 =	ssub.s32 $0x2, s7  }
0xb: {  	s26 =	sshll.u32 s7, $0x10;
	s9 =	smul.u32 $0x600, s8;
	_ =	strace $0x80000047  }
0xc: {  	s10 =	sshrl.u32 s22, $0x1;
	s23 =	sshll.u32 s8, $0x9;
	s8 =	sshll.u32 s8, $0x10  }
0xd: {  	s10 =	ssub.s32 s22, s10;
	s11 =	sadd.s32 s9, s1;
	s1 =	sadd.s32 s1, s23  }
0xe: {  	s7 =	sadd.s32 s5, s8;
	s3 =	sadd.s32 s3, s9;
	[dreg:$0x6] =	wrdreg s1  }
0xf: {  	s22 =	simm.s32 $0x2;
	s29 =	smax.u32 s10, $0x1;
	[dreg:$0x8] =	wrdreg s3  }
0x10: {  	s31 =	sadd.s32 $0x800, s7;
	s23 =	simm.s32 $0x5;
	[dreg:$0x9] =	wrdreg s29  }
0x11: {  	s24 =	sadd.s32 $0x4000, s11;
	s1 =	sadd.s32 s25, s5;
	[dreg:$0xa] =	wrdreg s31  }
0x12: {  	s25 =	simm.s32 $0x7;
	[dreg:$0x7] =	wrdreg s24;
	s1 =	sadd.s32 s26, s1  }
0x13: {  	s24 =	simm.s32 $0x6;
	s26 =	simm.s32 $0x8;
	s21 =	sadd.s32 $0x1000, s1  }
.LBB2_1:
0x14: {  	s1 =	rddreg [dreg:$0x6]  }
0x15: {  	[tilespmem:s4], [sflag:$0xA] =	stream.linear.gather [hbm4b:s1+s4], $0x1000, $0x38;
	[tilespmem:$0x17000] =	vst v63  }
0x16: {  	_ =	swait.ge [sflag:s12], $0x1000  }
0x17: {  	[sflag:s12] =	ssyncset.done $0x0  }
0x18: {  	s3 =	simm.s32 $0x1000;
	s31 =	rddreg [dreg:$0x7];
	[sflag:s12] =	ssyncadd.s32 $0xFFFFF000  }
0x19: {  	[tilespmem:s3], [sflag:$0xA] =	stream.linear.gather [hbm4b:s31+s4], $0x3000, $0x38;
	[tilespmem:$0x17000] =	vst v63  }
0x1a: {  	_ =	swait.ge [sflag:s12], $0x3000  }
0x1b: {  	s5 =	simm.s32 $0x1000;
	[sflag:s12] =	ssyncset.done $0x0  }
0x1c: {  	s1 =	simm.s32 $0x200;
	s3 =	simm.s32 $0x4000;
	[sflag:s12] =	ssyncadd.s32 $0xFFFFD000  }
.LBB2_2:
0x1d: {  	[tilespmem:s3], [sflag:$0x9] =	stream.indirect.gather [hbm4b:s0+s14], $0x1, s5, s14, $0xb8;
	[tilespmem:$0x17000] =	vst v63  }
0x1e: {  	s3 =	smov.u32 s1;
	p0 =	sne.s32 s1, $0xBE00  }
.Ltmp0:
0x1f: {  	s1 =	sadd.s32 $0x200, s1;
	(pc) =	sbr.rel @p0 .LBB2_2-.Ltmp0, $3  }
0x20: {  	_ =	sdelay $0x1  }
0x21: {  	s5 =	sshra.s32 s3, $0x2  }
0x22: {  	s3 =	sadd.s32 $0x4000, s5;
	s5 =	sadd.s32 $0x1000, s5  }
0x23: {  	[tilespmem:s3], [sflag:$0x9] =	stream.indirect.gather [hbm4b:s0+s14], $0x1, s5, s14, $0xb8;
	[tilespmem:$0x17000] =	vst v63  }
0x24: {  	_ = 	snop  }
0x25: {  	[tilespmem:s15], [sflag:$0x1] =	stream.indirect.gather [hbm4b:s2+s14], $0x80, s4, s14, $0xb8;
	[tilespmem:$0x17000] =	vst v63  }
0x26: {  	_ = 	snop  }
0x27: {  	[tilespmem:s16], [sflag:$0x2] =	stream.indirect.gather [hbm4b:s2+s14], $0x80, s14, s14, $0xb8;
	[tilespmem:$0x17000] =	vst v63  }
0x28: {  	s1 =	simm.s32 $0x100;
	s11 =	simm.s32 $0xF000  }
0x29: {  	[tilespmem:s11], [sflag:$0x3] =	stream.indirect.gather [hbm4b:s2+s14], $0x80, s1, s14, $0xb8;
	[tilespmem:$0x17000] =	vst v63  }
0x2a: {  	s13 =	simm.s32 $0x180;
	_ =	swait.ge [sflag:s19], $0x4000  }
0x2b: {  	s17 =	simm.s32 $0x13000;
	s20 =	simm.s32 $0x2;
	[sflag:s19] =	ssyncset.done $0x0  }
0x2c: {  	s3 =	simm.s32 $0x200;
	s5 =	sand.u32 $0x3, s20;
	[sflag:s19] =	ssyncadd.s32 $0xFFFFC000  }
0x2d: {  	[hbm4b:s7+s4] =	stream.linear.scatter [tilespmem:s15], [sflag:$0x5], $0x4000, $0x38;
	[tilespmem:$0x17000] =	vst v63  }
0x2e: {  	p0 =	por $0x0, $0x0;
	s20 =	simm.s32 $0x6;
	s6 =	sshll.u32 s5, $0xE  }
0x2f: {  	[tilespmem:s17], [sflag:$0x4] =	stream.indirect.gather [hbm4b:s2+s14], $0x80, s13, s14, $0xb8;
	[tilespmem:$0x17000] =	vst v63  }
0x30: {  	s29 =	sadd.s32 $0x1, s5;
	s1 =	simm.s32 $0x4;
	_ =	swait.ge [sflag:s22], $0x4000  }
0x31: {  	s11 =	sand.u32 @!p0 $0x3, s1;
	s1 =	simm.s32 $0x3;
	[sflag:s22] =	ssyncset.done $0x0  }
0x32: {  	s13 =	sadd.s32 @!p0 $0x5, s11;
	s18 =	rddreg [dreg:$0xa];
	[sflag:s22] =	ssyncadd.s32 $0xFFFFC000  }
0x33: {  	[hbm4b:s18+s4] =	stream.linear.scatter [tilespmem:s16], [sflag:$0x6], $0x4000, $0x38;
	[tilespmem:$0x17000] =	vst v63  }
0x34: {  	s31 =	sand.u32 $0x3, s1;
	s17 =	simm.s32 $0x5;
	_ =	swait.ge @!p0 [sflag:s13], $0x4000  }
0x35: {  	s18 =	sshll.u32 @!p0 s11, $0xE;
	s11 =	sadd.s32 @!p0 $0x1, s11;
	[sflag:s13] =	ssyncset.done @!p0 $0x0  }
0x36: {  	s18 =	sadd.s32 @!p0 $0x7000, s18;
	[sflag:s13] =	ssyncadd.s32 @!p0 $0xFFFFC000;
	s13 =	simm.s32 @!p0 $0x80  }
0x37: {  	[tilespmem:s18], [sflag:s11] =	stream.indirect.gather @!p0 [hbm4b:s2+s13], $0x80, s3, s13, $0xb8;
	[tilespmem:$0x17000] =	vst v63  }
0x38: {  	s18 =	sshll.u32 s31, $0xE;
	s3 =	sadd.s32 $0x800, s21;
	_ =	swait.ge [sflag:s29], $0x4000  }
0x39: {  	s13 =	simm.s32 $0x280;
	s11 =	smov.u32 s21;
	[sflag:s29] =	ssyncset.done $0x0  }
0x3a: {  	[sflag:s29] =	ssyncadd.s32 $0xFFFFC000;
	s29 =	sadd.s32 $0x5, s5;
	s5 =	sadd.s32 $0x7000, s6  }
.LBB2_4:
0x3b: {  	[hbm4b:s11+s4] =	stream.linear.scatter [tilespmem:s5], [sflag:s29], $0x4000, $0x38;
	[tilespmem:$0x17000] =	vst v63  }
0x3c: {  	s5 =	smov.u32 s20;
	s6 =	smov.u32 s31;
	s8 =	smov.u32 s18  }
0x3d: {  	s20 =	sadd.s32 $0x1, s20;
	p1 =	sgt.u32 s1, $0x1D;
	s1 =	sadd.s32 $0xFFFFFFFE, s5  }
0x3e: {  	p0 =	sne.s32 s20, $0x22;
	s11 =	sand.u32 @!p1 $0x3, s17;
	s31 =	sand.u32 $0x3, s1  }
0x3f: {  	s29 =	sadd.s32 @!p1 $0x5, s11;
	s17 =	sshll.u32 @!p1 s11, $0xE;
	s11 =	sadd.s32 @!p1 $0x1, s11  }
0x40: {  	s18 =	sshll.u32 s31, $0xE;
	s9 =	sadd.s32 @!p1 $0x7000, s17;
	_ =	swait.ge @!p1 [sflag:s29], $0x4000  }
0x41: {  	s10 =	sadd.s32 $0x1, s6;
	s17 =	smov.u32 s5;
	[sflag:s29] =	ssyncset.done @!p1 $0x0  }
.Ltmp1:
0x42: {  	s5 =	simm.s32 @!p1 $0x80;
	[sflag:s29] =	ssyncadd.s32 @!p1 $0xFFFFC000;
	(pc) =	sbr.rel @p0 .LBB2_4-.Ltmp1, $4  }
0x43: {  	[tilespmem:s9], [sflag:s11] =	stream.indirect.gather @!p1 [hbm4b:s2+s5], $0x80, s13, s5, $0xb8;
	[tilespmem:$0x17000] =	vst v63  }
0x44: {  	s11 =	smov.u32 s3;
	_ =	swait.ge [sflag:s10], $0x4000  }
0x45: {  	s3 =	sadd.s32 $0x800, s3;
	s13 =	sadd.s32 $0x80, s13;
	[sflag:s10] =	ssyncset.done $0x0  }
0x46: {  	s29 =	sadd.s32 $0x5, s6;
	s5 =	sadd.s32 $0x7000, s8;
	[sflag:s10] =	ssyncadd.s32 $0xFFFFC000  }
0x47: {  	[hbm4b:s11+s4] =	stream.linear.scatter [tilespmem:s5], [sflag:s29], $0x4000, $0x38;
	[tilespmem:$0x17000] =	vst v63  }
0x48: {  	p0 =	sgt.u32 s1, $0x1D  }
0x49: {  	s1 =	sand.u32 @!p0 $0x3, s17  }
0x4a: {  	s5 =	sadd.s32 @!p0 $0x5, s1  }
0x4b: {  	s8 =	sadd.s32 $0x1, s31;
	_ =	swait.ge @!p0 [sflag:s5], $0x4000  }
0x4c: {  	s6 =	sshll.u32 @!p0 s1, $0xE;
	s1 =	sadd.s32 @!p0 $0x1, s1;
	[sflag:s5] =	ssyncset.done @!p0 $0x0  }
0x4d: {  	s6 =	sadd.s32 @!p0 $0x7000, s6;
	[sflag:s5] =	ssyncadd.s32 @!p0 $0xFFFFC000;
	s5 =	simm.s32 @!p0 $0x80  }
0x4e: {  	[tilespmem:s6], [sflag:s1] =	stream.indirect.gather @!p0 [hbm4b:s2+s5], $0x80, s13, s5, $0xb8;
	[tilespmem:$0x17000] =	vst v63  }
0x4f: {  	_ =	swait.ge [sflag:s8], $0x4000  }
0x50: {  	[sflag:s8] =	ssyncset.done $0x0  }
0x51: {  	s29 =	sadd.s32 $0x5, s31;
	s31 =	sadd.s32 $0x7000, s18;
	[sflag:s8] =	ssyncadd.s32 $0xFFFFC000  }
0x52: {  	[hbm4b:s3+s4] =	stream.linear.scatter [tilespmem:s31], [sflag:s29], $0x4000, $0x38;
	[tilespmem:$0x17000] =	vst v63  }
0x53: {  	_ =	swait.ge [sflag:s23], $0x4000  }
0x54: {  	[sflag:s23] =	ssyncset.done $0x0  }
0x55: {  	[sflag:s23] =	ssyncadd.s32 $0xFFFFC000  }
0x56: {  	_ =	swait.ge [sflag:s24], $0x4000  }
0x57: {  	[sflag:s24] =	ssyncset.done $0x0  }
0x58: {  	[sflag:s24] =	ssyncadd.s32 $0xFFFFC000  }
0x59: {  	_ =	swait.ge [sflag:s25], $0x4000  }
0x5a: {  	[sflag:s25] =	ssyncset.done $0x0  }
0x5b: {  	[sflag:s25] =	ssyncadd.s32 $0xFFFFC000  }
0x5c: {  	_ =	swait.ge [sflag:s26], $0x4000  }
0x5d: {  	[sflag:s26] =	ssyncset.done $0x0  }
0x5e: {  	[sflag:s26] =	ssyncadd.s32 $0xFFFFC000  }
0x5f: {  	_ =	swait.ge [sflag:s28], $0x80  }
0x60: {  	s1 =	simm.s32 $0x5F;
	[sflag:s28] =	ssyncset.done $0x0  }
.LBB2_6:
0x61: {  	p0 =	sne.s32 s1, $0x1;
	s1 =	sadd.s32 $0xFFFFFFFF, s1;
	[sflag:s28] =	ssyncadd.s32 $0xFFFFFF80  }
.Ltmp2:
0x62: {  	(pc) =	sbr.rel @p0 .LBB2_6-.Ltmp2, $3  }
0x63: {  	_ =	sdelay $0x1  }
0x64: {  	_ =	swait.ge [sflag:s28], $0x80  }
0x65: {  	[sflag:s28] =	ssyncset.done $0x0  }
0x66: {  	[sflag:s28] =	ssyncadd.s32 $0xFFFFFF80;
	s1 =	rddreg [dreg:$0x8];
	s3 =	simm.s32 $0x4000  }
0x67: {  	[hbm4b:s1+s4] =	stream.linear.scatter [tilespmem:s3], [sflag:$0xA], $0x3000, $0x38;
	[tilespmem:$0x17000] =	vst v63  }
0x68: {  	_ =	swait.ge [sflag:s12], $0x3000  }
0x69: {  	s30 =	sadd.s32 $0x1, s30;
	s31 =	rddreg [dreg:$0x9]  }
0x6a: {  	p0 =	sne.s32 s30, s31  }
.Ltmp3:
0x6b: {  	_ = 	snop;
	(pc) =	sbr.rel @p0 .LBB2_1-.Ltmp3, $3  }
0x6c: {  	_ =	sdelay $0x1  }
0x6d: {  	[sflag:s12] =	ssyncset.done $0x0  }
0x6e: {  	[sflag:s12] =	ssyncadd.s32 $0xFFFFD000  }
0x6f: {  	_ =	sfence.sel $0x180000  }
0x70: {  	[bflag:$0x0] =	sbarrier.arrive $0xFFFF  }
0x71: {  	_ =	strace $0x90000047  }
0x72: {  	s0 =	stileid.u32;
	[bflag:$0x2] =	sbarrier.arrive $0xFFFF  }
0x73: {  	p0 =	sne.s32 s0, $0x0;
	s0 =	rddreg [dreg:$0x5]  }
0x74: {  	s0 =	sadd.s32 @!p0 $0x100000, s0  }
0x75: {  	[sflag:s0] =	ssyncadd.tile.s32 @!p0 $0x1;
	_ =	shalt  }
.Lfunc_end2:
_tile_overlayer_lowered:
.L_overlay_start_2:
0x76: {  	(tag) =	ssettag $0x2  }
0x77: {  	s0 =	rddreg [dreg:$0x0];
	s2 =	stileid.u32  }
0x78: {  	s1 =	rddreg [dreg:$0x1];
	p0 =	sne.s32 s2, $0x0  }
0x79: {  	s3 =	rddreg [dreg:$0x2];
	[bflag:$0x3] =	sbarrier.arrive $0xFFFF;
	s2 =	simm.s32 @!p0 $0x1C0A  }
0x7a: {  	[timem:s3], [sflag:s2] =	dma.local @!p0 [hbm:s0], s1  }
0x7b: {  	s0 =	simm.s32 @!p0 $0xA  }
0x7c: {  	_ =	swait.ge @!p0 [sflag:s0], s1  }
0x7d: {  	s1 =	ssub.s32 @!p0 $0x0, s1;
	[sflag:s0] =	ssyncset.done @!p0 $0x0  }
0x7e: {  	[sflag:s0] =	ssyncadd.s32 @!p0 s1  }
0x7f: {  	[bflag:$0x3] =	sbarrier.arrive $0xFFFF  }
0x80: {  	_ =	shalt  }

</sc_bundles>
